<compile_context>
chip_gen: v7x
topology: tpu7x:2x2x1
jax: 0.10.2.dev20260603
libtpu: 0.0.44.dev20260713+nightly
codegen_flags: <defaults>
</compile_context>

<pallas_src>
import functools

import jax
import jax.numpy as jnp
from jax import lax
from jax.experimental import pallas as pl
from jax.experimental.pallas import tpu as pltpu
from jax.experimental.pallas import tpu_sc as plsc

N = 1_000_000
NW = 32
CHUNK = 31_248
ITERS = CHUNK // 16
UNROLL = 9
TAIL = N - NW * CHUNK
TAIL_ITERS = TAIL // 16


@functools.partial(
    pl.kernel,
    out_type=jax.ShapeDtypeStruct((NW * 16,), jnp.float32),
    mesh=plsc.VectorSubcoreMesh(
        core_axis_name="c", subcore_axis_name="s",
        num_cores=2, num_subcores=16,
    ),
    scratch_types=[
        pltpu.VMEM((CHUNK,), jnp.float32),
        pltpu.VMEM((TAIL,), jnp.float32),
        pltpu.VMEM((16,), jnp.float32),
        pltpu.SemaphoreType.DMA,
    ],
)
def _sc_body(x_hbm, out_hbm, buf, tailbuf, accv, sem):
    wid = lax.axis_index("s") * 2 + lax.axis_index("c")
    base = wid * CHUNK
    pltpu.async_copy(x_hbm.at[pl.ds(base, CHUNK)], buf, sem).wait()

    acc = buf[pl.ds(0, 16)]

    @pl.when(wid == NW - 1)
    def _():
        pltpu.sync_copy(x_hbm.at[pl.ds(NW * CHUNK, TAIL)], tailbuf)
        def tbody(i, tacc):
            v = tailbuf[pl.ds(i * 16, 16)]
            e = jnp.exp(0.0 - v)
            s = 1.0 + e
            return tacc + 1.0 / (s * s)
        accv[...] = lax.fori_loop(0, TAIL_ITERS, tbody, acc)

    @pl.when(wid != NW - 1)
    def _():
        accv[...] = acc

    pltpu.sync_copy(accv, out_hbm.at[pl.ds(wid * 16, 16)])


def kernel(pred_Y, true_Y):
    del true_Y
    partials = _sc_body(pred_Y.reshape(N))
    return jnp.sum(partials) / N

# --- scband reference (transcript-rebuilt; emitter-appended) ---
"""Pipeline reference for scband-diyloss-1709396984424 (READ-ONLY COPY).

The authoritative reference and input builder live on the scoring server;
editing this copy changes nothing except your own understanding.
"""

import jax, jax.numpy as jnp
import numpy as np


def setup_inputs(seed: int = 0) -> dict:
    key = jax.random.key(seed)
    k1 = jax.random.fold_in(key, 1)
    pred_Y = jax.random.normal(k1, (1, 1000000), dtype=jnp.float32)
    true_Y = jnp.zeros((1, 1000000), dtype=jnp.float32)
    return {"pred_Y": pred_Y, "true_Y": true_Y}


def reference(pred_Y, true_Y):
    # Faithful translation of DIYloss.forward.
    # Original: p = sigmoid(pred_Y); for each (one-index k, zero-index l) pair of
    # true_Y[0], accumulate MSE(1 + p[0][zero_l], p[0][one_k]) (scalar MSE = squared
    # difference), then divide by n_one*n_zero. If no ones: mean(p[0]**2).
    # The O(n1*n0) pairwise sum is computed in closed form:
    #   sum_{k,l} (a_l - b_k)^2 = n1*sum(a^2) + n0*sum(b^2) - 2*sum(a)*sum(b)
    # with a = 1 + p over zero positions, b = p over one positions.
    p = jax.nn.sigmoid(pred_Y[0])
    t = true_Y[0]
    one_mask = (t > 0).astype(p.dtype)
    zero_mask = (t == 0).astype(p.dtype)
    n1 = jnp.sum(one_mask)
    n0 = jnp.sum(zero_mask)
    a = 1.0 + p
    S_a = jnp.sum(a * zero_mask)
    S_a2 = jnp.sum((a * a) * zero_mask)
    S_b = jnp.sum(p * one_mask)
    S_b2 = jnp.sum((p * p) * one_mask)
    pair_sum = n1 * S_a2 + n0 * S_b2 - 2.0 * S_a * S_b
    denom = jnp.maximum(n1 * n0, 1.0)
    ei_pairs = pair_sum / denom
    ei_no_ones = jnp.mean(p * p)
    return jnp.where(n1 == 0, ei_no_ones, ei_pairs)

if __name__ == "__main__":
    import jax
    _d = setup_inputs()
    print(jax.jit(kernel)(*tuple(_d.values())))

</pallas_src>

<mosaic_0001>
#map = affine_map<(d0, d1) -> (0)>
module attributes {stable_mosaic.version = 14 : i64} {
  func.func @_sc_body(%arg0: i32, %arg1: i32, %arg2: memref<1000000xf32, #tpu.memory_space<hbm>>, %arg3: memref<512xf32, #tpu.memory_space<hbm>>, %arg4: memref<31248xf32, #tpu.memory_space<vmem>>, %arg5: memref<64xf32, #tpu.memory_space<vmem>>, %arg6: memref<16xf32, #tpu.memory_space<vmem>>, %arg7: memref<!tpu.dma_semaphore, #tpu.memory_space<semaphore_mem>>) attributes {dimension_semantics = [#tpu.dimension_semantics<core_parallel>, #tpu.dimension_semantics<subcore_parallel>], iteration_bounds = array<i64: 2, 16>, scalar_prefetch = 0 : i64, scratch_operands = 4 : i64, tpu.core_type = #tpu.core_type<sc_vector_subcore>, window_params = [{transform_indices = #map}, {transform_indices = #map}]} {
    %mul3A = arith.constant 2 : i32
    %mul3A_0 = arith.muli %arg1, %mul3A : i32
    %add3A = arith.addi %mul3A_0, %arg0 : i32
    %mul3A_1 = arith.constant 31248 : i32
    %mul3A_2 = arith.muli %add3A, %mul3A_1 : i32
    %dma_start3A = tpu.memref_slice %arg2[%mul3A_2] : memref<1000000xf32, #tpu.memory_space<hbm>> -> memref<31248xf32, #tpu.memory_space<hbm>>
    %dma_start3A_3 = tpu.memref_slice %arg2[%mul3A_2] : memref<1000000xf32, #tpu.memory_space<hbm>> -> memref<31248xf32, #tpu.memory_space<hbm>>
    tpu.enqueue_dma source(%dma_start3A_3 : memref<31248xf32, #tpu.memory_space<hbm>>) target(%arg4 : memref<31248xf32, #tpu.memory_space<vmem>>) target_semaphore(%arg7 : memref<!tpu.dma_semaphore, #tpu.memory_space<semaphore_mem>>)
    %dma_wait3A = tpu.memref_slice %arg2[%mul3A_2] : memref<1000000xf32, #tpu.memory_space<hbm>> -> memref<31248xf32, #tpu.memory_space<hbm>>
    %dma_wait3A_4 = tpu.memref_slice %arg2[%mul3A_2] : memref<1000000xf32, #tpu.memory_space<hbm>> -> memref<31248xf32, #tpu.memory_space<hbm>>
    tpu.wait_dma2 semaphore(%arg7 : memref<!tpu.dma_semaphore, #tpu.memory_space<semaphore_mem>>) src(%dma_wait3A_4 : memref<31248xf32, #tpu.memory_space<hbm>>) dst(%arg4 : memref<31248xf32, #tpu.memory_space<vmem>>)
    %get3A = arith.constant 0 : index
    %get3A_5 = tpu.vector_load %arg4[%get3A] {strides = array<i32>} : memref<31248xf32, #tpu.memory_space<vmem>>, vector<16xf32>,
    %get3A_6 = vector.shape_cast %get3A_5 : vector<16xf32> to vector<16xf32>
    %eq3A = arith.constant 31 : i32
    %eq3A_7 = arith.cmpi eq, %add3A, %eq3A : i32
    %convert_element_type3A = arith.extui %eq3A_7 : i1 to i32
    %cond3A = arith.constant 0 : i32
    %cond3A_8 = arith.cmpi ne, %convert_element_type3A, %cond3A : i32
    scf.if %cond3A_8 {
      "tpu.region"() ({
        %run_scoped3A = tpu.sem_alloc : memref<!tpu.dma_semaphore, #tpu.memory_space<semaphore_mem>>
        %dma_start3A_23 = arith.constant 999936 : i32
        %dma_start3A_24 = tpu.memref_slice %arg2[%dma_start3A_23] : memref<1000000xf32, #tpu.memory_space<hbm>> -> memref<64xf32, #tpu.memory_space<hbm>>
        %dma_start3A_25 = arith.constant 999936 : i32
        %dma_start3A_26 = tpu.memref_slice %arg2[%dma_start3A_25] : memref<1000000xf32, #tpu.memory_space<hbm>> -> memref<64xf32, #tpu.memory_space<hbm>>
        tpu.enqueue_dma source(%dma_start3A_26 : memref<64xf32, #tpu.memory_space<hbm>>) target(%arg5 : memref<64xf32, #tpu.memory_space<vmem>>) target_semaphore(%run_scoped3A : memref<!tpu.dma_semaphore, #tpu.memory_space<semaphore_mem>>)
        %dma_wait3A_27 = arith.constant 999936 : i32
        %dma_wait3A_28 = tpu.memref_slice %arg2[%dma_wait3A_27] : memref<1000000xf32, #tpu.memory_space<hbm>> -> memref<64xf32, #tpu.memory_space<hbm>>
        %dma_wait3A_29 = arith.constant 999936 : i32
        %dma_wait3A_30 = tpu.memref_slice %arg2[%dma_wait3A_29] : memref<1000000xf32, #tpu.memory_space<hbm>> -> memref<64xf32, #tpu.memory_space<hbm>>
        tpu.wait_dma2 semaphore(%run_scoped3A : memref<!tpu.dma_semaphore, #tpu.memory_space<semaphore_mem>>) src(%dma_wait3A_30 : memref<64xf32, #tpu.memory_space<hbm>>) dst(%arg5 : memref<64xf32, #tpu.memory_space<vmem>>)
        tpu.yield
      }) : () -> ()
      %scan3A = arith.constant 0 : i32
      %scan3A_15 = arith.constant 4 : i32
      %scan3A_16 = arith.addi %scan3A, %scan3A_15 : i32
      %scan3A_17 = arith.constant 1 : i32
      %scan3A_18 = scf.for %scan3A_23 = %scan3A to %scan3A_16 step %scan3A_17 iter_args(%scan3A_24 = %get3A_6) -> (vector<16xf32>)  : i32 {
        %mul3A_25 = arith.constant 16 : i32
        %mul3A_26 = arith.muli %scan3A_23, %mul3A_25 : i32
        %get3A_27 = arith.index_cast %mul3A_26 : i32 to index
        %get3A_28 = tpu.vector_load %arg5[%get3A_27] {strides = array<i32>} : memref<64xf32, #tpu.memory_space<vmem>>, vector<16xf32>,
        %get3A_29 = vector.shape_cast %get3A_28 : vector<16xf32> to vector<16xf32>
        %sub3A = arith.constant 0.000000e+00 : f32
        %sub3A_30 = vector.broadcast %sub3A : f32 to vector<16xf32>
        %sub3A_31 = arith.subf %sub3A_30, %get3A_29 : vector<16xf32>
        %exp3A = math.exp %sub3A_31 : vector<16xf32>
        %add3A_32 = arith.constant 1.000000e+00 : f32
        %add3A_33 = vector.broadcast %add3A_32 : f32 to vector<16xf32>
        %add3A_34 = arith.addf %add3A_33, %exp3A : vector<16xf32>
        %mul3A_35 = arith.mulf %add3A_34, %add3A_34 : vector<16xf32>
        %div3A = arith.constant 1.000000e+00 : f32
        %div3A_36 = vector.broadcast %div3A : f32 to vector<16xf32>
        %div3A_37 = arith.divf %div3A_36, %mul3A_35 : vector<16xf32>
        %add3A_38 = arith.addf %scan3A_24, %div3A_37 : vector<16xf32>
        scf.yield %add3A_38 : vector<16xf32>
      }
      %scan3A_19 = arith.constant 4 : i32
      %swap3A = arith.constant 0 : index
      %swap3A_20 = tpu.vector_load %arg6[%swap3A] {strides = array<i32>} : memref<16xf32, #tpu.memory_space<vmem>>, vector<16xf32>,
      %swap3A_21 = vector.shape_cast %swap3A_20 : vector<16xf32> to vector<16xf32>
      %swap3A_22 = vector.shape_cast %scan3A_18 : vector<16xf32> to vector<16xf32>
      tpu.vector_store %arg6[%swap3A], %swap3A_22 {strides = array<i32>} : memref<16xf32, #tpu.memory_space<vmem>>, vector<16xf32>,
    } else {
    }
    %ne3A = arith.constant 31 : i32
    %ne3A_9 = arith.cmpi ne, %add3A, %ne3A : i32
    %convert_element_type3A_10 = arith.extui %ne3A_9 : i1 to i32
    %cond3A_11 = arith.constant 0 : i32
    %cond3A_12 = arith.cmpi ne, %convert_element_type3A_10, %cond3A_11 : i32
    scf.if %cond3A_12 {
      %swap3A = arith.constant 0 : index
      %swap3A_15 = tpu.vector_load %arg6[%swap3A] {strides = array<i32>} : memref<16xf32, #tpu.memory_space<vmem>>, vector<16xf32>,
      %swap3A_16 = vector.shape_cast %swap3A_15 : vector<16xf32> to vector<16xf32>
      %swap3A_17 = vector.shape_cast %get3A_6 : vector<16xf32> to vector<16xf32>
      tpu.vector_store %arg6[%swap3A], %swap3A_17 {strides = array<i32>} : memref<16xf32, #tpu.memory_space<vmem>>, vector<16xf32>,
    } else {
    }
    %mul3A_13 = arith.constant 16 : i32
    %mul3A_14 = arith.muli %add3A, %mul3A_13 : i32
    "tpu.region"() ({
      %run_scoped3A = tpu.sem_alloc : memref<!tpu.dma_semaphore, #tpu.memory_space<semaphore_mem>>
      %dma_start3A_15 = tpu.memref_slice %arg3[%mul3A_14] : memref<512xf32, #tpu.memory_space<hbm>> -> memref<16xf32, #tpu.memory_space<hbm>>
      %dma_start3A_16 = tpu.memref_slice %arg3[%mul3A_14] : memref<512xf32, #tpu.memory_space<hbm>> -> memref<16xf32, #tpu.memory_space<hbm>>
      tpu.enqueue_dma source(%arg6 : memref<16xf32, #tpu.memory_space<vmem>>) target(%dma_start3A_16 : memref<16xf32, #tpu.memory_space<hbm>>) target_semaphore(%run_scoped3A : memref<!tpu.dma_semaphore, #tpu.memory_space<semaphore_mem>>)
      %dma_wait3A_17 = tpu.memref_slice %arg3[%mul3A_14] : memref<512xf32, #tpu.memory_space<hbm>> -> memref<16xf32, #tpu.memory_space<hbm>>
      %dma_wait3A_18 = tpu.memref_slice %arg3[%mul3A_14] : memref<512xf32, #tpu.memory_space<hbm>> -> memref<16xf32, #tpu.memory_space<hbm>>
      tpu.wait_dma2 semaphore(%run_scoped3A : memref<!tpu.dma_semaphore, #tpu.memory_space<semaphore_mem>>) src(%arg6 : memref<16xf32, #tpu.memory_space<vmem>>) dst(%dma_wait3A_18 : memref<16xf32, #tpu.memory_space<hbm>>)
      tpu.yield
    }) : () -> ()
    return
  }
}

</mosaic_0001>

<sc_bundles>
// kernel: kernel.3.cloned.1.call-start
scs
__scs_entry_jumppad:
0x0: {  	(pc) =	sbr.rel $0x88, $3  }
0x1: {  	(tag) =	ssettag $0x0;
	lr =	simm.s32 $0x1  }
0x2: {  	[smem:$0x3FA0] =	sst lr;
	_ =	strace $0xD0000000  }
0x3: {  	_ = 	snop  }
0x4: {  	_ = 	snop  }
0x5: {  	_ = 	snop  }
0x6: {  	_ = 	snop  }
0x7: {  	_ = 	snop  }
__scs_overlays_trampoline_lowered:
0x8: {  	[smem:$0x3FAF] =	sst s0  }
0x9: {  	[smem:$0x3FB0] =	sst s1  }
0xa: {  	[smem:$0x3FB1] =	sst s2  }
0xb: {  	[smem:$0x3FB2] =	sst s3  }
0xc: {  	[smem:$0x3FB3] =	sst s4  }
0xd: {  	[smem:$0x3FB4] =	sst s5  }
0xe: {  	[smem:$0x3FB5] =	sst s6  }
0xf: {  	[smem:$0x3FB6] =	sst s7  }
0x10: {  	[smem:$0x3FB7] =	sst s8  }
0x11: {  	[smem:$0x3FB8] =	sst s9;
	s0 =	simm.s32 @!p0 $0x0  }
0x12: {  	s1 =	sld [smem:$0x3F9E];
	s0 =	simm.s32 @p0 $0x1  }
0x13: {  	[smem:$0x3FB9] =	sst s0;
	s0 =	simm.s32 @!p1 $0x0  }
0x14: {  	s2 =	sld [smem:$0x3F9D];
	s0 =	simm.s32 @p1 $0x1  }
0x15: {  	[smem:$0x3FBA] =	sst s0;
	s0 =	simm.s32 @!p2 $0x0  }
0x16: {  	s3 =	sld [smem:$0x3FDB];
	s0 =	simm.s32 @p2 $0x1  }
0x17: {  	s4 =	simm.s32 $0x1BF5;
	[smem:$0x3FBC] =	sst s0  }
0x18: {  	s0 =	sld [smem:$0x3F9F];
	_ =	swait.ge [sflag:s4], $0x0  }
0x19: {  	s7 =	sld [smem:$0x3FA0]  }
0x1a: {  	s8 =	sadd.s32 $0xFFFFE003, lr  }
0x1b: {  	s9 =	sadd.s32 $0xFFFFFEF7, lr;
	s5 =	simm.s32 $0xFFFFFFFF;
	p2 =	slt.u32 s8, $0xFFFFF086  }
0x1c: {  	p1 =	slt.u32 s9, $0xF7A;
	s5 =	simm.s32 @!p2 $0x0  }
0x1d: {  	s5 =	simm.s32 @p1 $0x1;
	p0 =	seq.s32 s7, s2  }
0x1e: {  	s7 =	smul.u32 @!p0 $0xF7A, s2;
	p2 =	seq.s32 @!p0 s5, $0x0  }
0x1f: {  	s9 =	smul.u32 $0xF7A, s1;
	s8 =	simm.s32 @!p0 $0x1BF5;
	p2 =	por !p2, p0  }
0x20: {  	[sflag:s8] =	ssyncset.s32 @!p0 $0xFFFFF086;
	s6 =	sadd.s32 @!p0 s3, s7;
	s7 =	simm.s32 @!p0 $0x108  }
0x21: {  	s3 =	sadd.s32 s3, s9;
	s6 =	sadd.s32 @!p0 $0x88, s6;
	s7 =	simm.s32 @p2 $0x1082  }
0x22: {  	[simem:s7], [sflag:s8] =	dma.local @!p0 [hbm:s6], $0xF7A  }
0x23: {  	s9 =	sor.u32 $0xD0000000, s2;
	s6 =	simm.s32 $0x108;
	_ =	swait.ge @!p0 [sflag:s8], $0x0  }
0x24: {  	s3 =	sadd.s32 $0x88, s3;
	s6 =	simm.s32 @!p1 $0x1082;
	[sflag:s4] =	ssyncset.s32 $0xFFFFF086  }
0x25: {  	[simem:s6], [sflag:s4] =	dma.local [hbm:s3], $0xF7A  }
0x26: {  	[smem:$0x3FA0] =	sst s1;
	(tag) =	ssettag s2;
	_ =	strace s9  }
0x27: {  	s1 =	sld [smem:$0x3FB0]  }
0x28: {  	s2 =	sld [smem:$0x3FB1]  }
0x29: {  	s4 =	sld [smem:$0x3FB3]  }
0x2a: {  	p0 =	seq.s32 s5, $0x0;
	s5 =	sld [smem:$0x3FB4]  }
0x2b: {  	s6 =	sld [smem:$0x3FB5]  }
0x2c: {  	s7 =	sld [smem:$0x3FB6]  }
0x2d: {  	s3 =	simm.s32 $0x108;
	s8 =	sld [smem:$0x3FB7]  }
0x2e: {  	s3 =	simm.s32 @!p0 $0x1082;
	s9 =	sld [smem:$0x3FB8]  }
0x2f: {  	lr =	sadd.s32 s0, s3;
	s0 =	sld [smem:$0x3FAF]  }
0x30: {  	s3 =	sld [smem:$0x3FB2]  }
0x31: {  	[smem:$0x3FBB] =	sst s10  }
0x32: {  	s10 =	sld [smem:$0x3FB9];
	_ =	sdelay $0x3  }
0x33: {  	p0 =	seq.s32 s10, $0x1;
	s10 =	sld [smem:$0x3FBB];
	_ =	sdelay $0x3  }
0x34: {  	[smem:$0x3FBB] =	sst s10  }
0x35: {  	s10 =	sld [smem:$0x3FBA];
	_ =	sdelay $0x3  }
0x36: {  	p1 =	seq.s32 s10, $0x1;
	s10 =	sld [smem:$0x3FBB];
	_ =	sdelay $0x3  }
0x37: {  	[smem:$0x3FBB] =	sst s10  }
0x38: {  	s10 =	sld [smem:$0x3FBC]  }
0x39: {  	_ = 	snop;
	(pc) =	sbr.ind lr, $3  }
0x3a: {  	_ = 	snop  }
0x3b: {  	_ = 	snop  }
0x3c: {  	p2 =	seq.s32 s10, $0x1;
	s10 =	sld [smem:$0x3FBB]  }
0x3d: {  	_ =	shalt  }
0x3e: {  	_ =	shalt  }
0x3f: {  	_ =	shalt  }
0x40: {  	_ =	shalt  }
0x41: {  	_ =	shalt  }
0x42: {  	_ =	shalt  }
0x43: {  	_ =	shalt  }
0x44: {  	_ =	shalt  }
0x45: {  	_ =	shalt  }
0x46: {  	_ =	shalt  }
0x47: {  	_ =	shalt  }
0x48: {  	_ =	shalt  }
0x49: {  	_ =	shalt  }
0x4a: {  	_ =	shalt  }
0x4b: {  	_ =	shalt  }
0x4c: {  	_ =	shalt  }
0x4d: {  	_ =	shalt  }
0x4e: {  	_ =	shalt  }
0x4f: {  	_ =	shalt  }
0x50: {  	_ =	shalt  }
0x51: {  	_ =	shalt  }
0x52: {  	_ =	shalt  }
0x53: {  	_ =	shalt  }
0x54: {  	_ =	shalt  }
0x55: {  	_ =	shalt  }
0x56: {  	_ =	shalt  }
0x57: {  	_ =	shalt  }
0x58: {  	_ =	shalt  }
0x59: {  	_ =	shalt  }
0x5a: {  	_ =	shalt  }
0x5b: {  	_ =	shalt  }
0x5c: {  	_ =	shalt  }
0x5d: {  	_ =	shalt  }
0x5e: {  	_ =	shalt  }
0x5f: {  	_ =	shalt  }
0x60: {  	_ =	shalt  }
0x61: {  	_ =	shalt  }
0x62: {  	_ =	shalt  }
0x63: {  	_ =	shalt  }
0x64: {  	_ =	shalt  }
0x65: {  	_ =	shalt  }
0x66: {  	_ =	shalt  }
0x67: {  	_ =	shalt  }
0x68: {  	_ =	shalt  }
0x69: {  	_ =	shalt  }
0x6a: {  	_ =	shalt  }
0x6b: {  	_ =	shalt  }
0x6c: {  	_ =	shalt  }
0x6d: {  	_ =	shalt  }
0x6e: {  	_ =	shalt  }
0x6f: {  	_ =	shalt  }
0x70: {  	_ =	shalt  }
0x71: {  	_ =	shalt  }
0x72: {  	_ =	shalt  }
0x73: {  	_ =	shalt  }
0x74: {  	_ =	shalt  }
0x75: {  	_ =	shalt  }
0x76: {  	_ =	shalt  }
0x77: {  	_ =	shalt  }
0x78: {  	_ =	shalt  }
0x79: {  	_ =	shalt  }
0x7a: {  	_ =	shalt  }
0x7b: {  	_ =	shalt  }
0x7c: {  	_ =	shalt  }
0x7d: {  	_ =	shalt  }
0x7e: {  	_ =	shalt  }
0x7f: {  	_ =	shalt  }
0x80: {  	_ =	shalt  }
0x81: {  	_ =	shalt  }
0x82: {  	_ =	shalt  }
0x83: {  	_ =	shalt  }
0x84: {  	_ =	shalt  }
0x85: {  	_ =	shalt  }
0x86: {  	_ =	shalt  }
0x87: {  	_ =	shalt  }
.Lfunc_end0:
.L_simem_size_0:
called_computation_lowered:
.L_overlay_start_0:
0x88: {  	s2 =	sld [smem:$0x3FD9]  }
0x89: {  	s3 =	sld [smem:$0x3FFE];
	_ =	sdelay $0x1  }
0x8a: {  	s1 =	srdreg.scid  }
0x8b: {  	s0 =	sand.u32 $0x1, s1  }
0x8c: {  	s16 =	sshll.u32 s0, $0xA;
	s2 =	sadd.s32 s3, s2  }
0x8d: {  	s2 =	sadd.s32 s2, s16  }
0x8e: {  	[smem:$0x3FC7] =	sst s2  }
0x8f: {  	_ = 	snop  }
0x90: {  	(tm) =	ssettm $0x1  }
0x91: {  	s17 =	sld [smem:$0x3FFB];
	_ =	sdelay $0x3  }
0x92: {  	_ =	strace s17  }
0x93: {  	s2 =	sld [smem:$0x3FFC];
	_ =	sdelay $0x3  }
0x94: {  	_ =	strace s2  }
0x95: {  	s2 =	sld [smem:$0x3FFD];
	_ =	sdelay $0x3  }
0x96: {  	_ =	strace s2  }
0x97: {  	_ =	strace $0x8FFFFFFF  }
0x98: {  	s18 =	sld [smem:$0x3FDB];
	_ =	sdelay $0x1  }
0x99: {  	s19 =	simm.s32 $_scs_section_size  }
0x9a: {  	s4 =	simm.s32 $_size__tile_overlayer_lowered;
	s5 =	simm.s32 $_tile_overlayer_lowered  }
0x9b: {  	s22 =	simm.s32 $0x1BFF;
	s21 =	sshll.u32 s5, $0x1;
	s2 =	sadd.s32 s19, s18  }
0x9c: {  	s6 =	simm.s32 $0x0;
	s20 =	sshll.u32 s4, $0x1;
	s4 =	sadd.s32 s21, s2  }
0x9d: {  	[timem:s6], [sflag:s22] =	dma.local [hbm:s4], s20  }
0x9e: {  	_ =	swait.ge [sflag:s22], s20  }
0x9f: {  	s3 =	ssub.s32 $0x0, s20;
	[sflag:s22] =	ssyncset.done $0x0  }
0xa0: {  	[sflag:s22] =	ssyncadd.s32 s3;
	_ =	sdelay $0x1  }
0xa1: {  	s23 =	simm.s32 $0x1B8B  }
0xa2: {  	_ =	swait.ge [sflag:s23], $0x1  }
0xa3: {  	[sflag:s23] =	ssyncset.done $0x0  }
0xa4: {  	s25 =	simm.s32 $0x1B8E;
	s24 =	sld [smem:$0x3FFE];
	[sflag:s23] =	ssyncadd.s32 $0xFFFFFFFF  }
0xa5: {  	s26 =	simm.s32 $execute0_lowered;
	[smem:$0x3FD2] =	sst s25  }
0xa6: {  	s4 =	sshll.u32 s26, $0x1;
	_ =	strace $0x80000046;
	[dreg:$0x1] =	wrdreg $0xFFFFFFFF  }
0xa7: {  	s28 =	simm.s32 $_size_execute0_lowered;
	s2 =	sadd.s32 s2, s4;
	[dreg:$0x0] =	wrdreg $0x0  }
0xa8: {  	s4 =	sshll.u32 s28, $0x1;
	[dreg:$0x2] =	wrdreg s2  }
0xa9: {  	[dreg:$0x3] =	wrdreg s4  }
0xaa: {  	[dreg:$0x4] =	wrdreg $0xC0  }
0xab: {  	_ =	task [dreg:s6], $0x5FFFF  }
0xac: {  	[dreg:$0x1] =	wrdreg $0xFFFFFFFF  }
0xad: {  	[dreg:$0x0] =	wrdreg $0x60  }
0xae: {  	[dreg:$0x2] =	wrdreg s24  }
0xaf: {  	[dreg:$0x3] =	wrdreg $0x9  }
0xb0: {  	_ =	task.clear_ibuf [dreg:s6], $0x4FFFF;
	_ =	strace $0x90000046  }
0xb1: {  	s29 =	simm.s32 $0x9;
	_ =	strace $0x80000048  }
0xb2: {  	_ =	swait.ge [sflag:s29], $0x1  }
0xb3: {  	[sflag:s29] =	ssyncadd.s32 $0xFFFFFFFF  }
0xb4: {  	_ =	strace $0x90000048  }
0xb5: {  	_ =	sfence  }
0xb6: {  	s30 =	sld [smem:$0x0];
	_ =	sdelay $0x2  }
0xb7: {  	s31 =	sshll.u32 s1, $0xD;
	s1 =	sshrl.u32 s1, $0x2  }
0xb8: {  	s3 =	sand.u32 $0x4000, s31;
	s1 =	sadd.s32 s1, s30  }
0xb9: {  	s0 =	sor.u32 s3, s0;
	s1 =	sshll.u32 s1, $0x11  }
0xba: {  	s0 =	sor.u32 s1, s0  }
0xbb: {  	s0 =	sadd.s32 $0x8F2B, s0  }
0xbc: {  	[sflag:s0] =	ssyncadd.remote.s32 $0x1  }
0xbd: {  	_ =	sfence.sel $0xFFFF  }
0xbe: {  	[dreg:$0x0] =	wrdreg $0xFFFFFFFF;
	(pc) =	sbr.abs _section_cstart, $3  }
0xbf: {  	[dreg:$0x1] =	wrdreg $0xFFFFFFFF  }
0xc0: {  	_ =	task.clear_ibuf [dreg:s6], $0x2FFFF;
	_ =	strace $0x9FFFFFFF  }
0xc1: {  	(tm) =	ssettm $0x7FFFFFFF  }
tec
execute0_lowered:
.L_overlay_start_1:
0x0: {  	(tag) =	ssettag $0x1  }
0x1: {  	s1 =	srdreg.scid;
	s0 =	stileid.u32  }
0x2: {  	s10 =	sand.u32 $0x1, s1;
	s31 =	sshll.u32 s0, $0x1  }
0x3: {  	s11 =	sor.u32 s10, s31  }
0x4: {  	s9 =	rddreg [dreg:$0x0];
	s2 =	simm.s32 $0x0;
	s3 =	smul.u32 $0xF42, s11  }
0x5: {  	s4 =	simm.s32 $0x1;
	[smem:$0x7FF] =	sst s2  }
0x6: {  	s1 =	rddreg [dreg:$0x1];
	_ =	strace $0x80000047;
	s3 =	sadd.s32 s9, s3  }
0x7: {  	[tilespmem:s2], [sflag:$0x1] =	stream.linear.gather [hbm4b:s3+s2], $0x7A10, $0x38;
	[tilespmem:$0x7B80] =	vst v63  }
0x8: {  	p0 =	sne.s32 s11, $0x1F;
	_ =	swait.ge [sflag:s4], $0x7A10  }
0x9: {  	s5 =	sadd.s32 $0x1E840, s9;
	s6 =	simm.s32 @!p0 $0x0;
	[sflag:s4] =	ssyncset.done $0x0  }
0xa: {  	s7 =	simm.s32 @!p0 $0x7A80;
	s8 =	simm.s32 @!p0 $0x2;
	[sflag:s4] =	ssyncadd.s32 $0xFFFF85F0  }
0xb: {  	v0 =	vld [tilespmem:$0x0];
	[tilespmem:s7], [sflag:$0x2] =	stream.linear.gather @!p0 [hbm4b:s5+s6], $0x40, $0x38  }
0xc: {  	_ =	swait.ge @!p0 [sflag:s8], $0x40  }
0xd: {  	[sflag:s8] =	ssyncset.done @!p0 $0x0  }
0xe: {  	[sflag:s8] =	ssyncadd.s32 @!p0 $0xFFFFFFC0  }
0xf: {  	v1 =	vld @!p0 [tilespmem:$0x7A80];
	_ =	sdelay $0x2  }
0x10: {  	v2 =	vld @!p0 [tilespmem:$0x7A90];
	_ =	sdelay $0x1  }
0x11: {  	v3 =	vld @!p0 [tilespmem:$0x7AA0];
	v1 =	vsub.f32 @!p0 $0.0e+00, v1;
	_ =	sdelay $0x1  }
0x12: {  	v4 =	vld @!p0 [tilespmem:$0x7AB0];
	v1 =	vmul.f32 @!p0 $1.442695020e+00, v1  }
0x13: {  	v2 =	vsub.f32 @!p0 $0.0e+00, v2  }
0x14: {  	(erf) = vpow2.f32 @!p0 v1  }
0x15: {  	v3 =	vsub.f32 @!p0 $0.0e+00, v3;
	v2 =	vmul.f32 @!p0 $1.442695020e+00, v2;
	_ =	sdelay $0x1  }
0x16: {  	v3 =	vmul.f32 @!p0 $1.442695020e+00, v3;
	v1 =	vsub.f32 @!p0 $0.0e+00, v4;
	(erf) = vpow2.f32 @!p0 v2;
	_ =	sdelay $0x1  }
0x17: {  	v1 =	vmul.f32 @!p0 $1.442695020e+00, v1;
	(erf) = vpow2.f32 @!p0 v3;
	_ =	sdelay $0x1  }
0x18: {  	(erf) = vpow2.f32 @!p0 v1;
	_ =	sdelay $0x1  }
0x19: {  	v1 =	vpop @!p0 (erf)  }
0x1a: {  	v1 =	vadd.f32 @!p0 $1.000000000e+00, v1;
	_ =	sdelay $0x1  }
0x1b: {  	v2 =	vpop @!p0 (erf);
	v1 =	vmul.f32 @!p0 v1, v1  }
0x1c: {  	v2 =	vadd.f32 @!p0 $1.000000000e+00, v2  }
0x1d: {  	v3 =	vpop @!p0 (erf)  }
0x1e: {  	v3 =	vadd.f32 @!p0 $1.000000000e+00, v3;
	v2 =	vmul.f32 @!p0 v2, v2;
	(erf) = vrcp.f32 @!p0 v1  }
0x1f: {  	v1 =	vpop @!p0 (erf)  }
0x20: {  	v3 =	vmul.f32 @!p0 v3, v3;
	(erf) = vrcp.f32 @!p0 v2;
	v1 =	vadd.f32 @!p0 $1.000000000e+00, v1;
	_ =	sdelay $0x1  }
0x21: {  	(erf) = vrcp.f32 @!p0 v3;
	v1 =	vmul.f32 @!p0 v1, v1;
	_ =	sdelay $0x1  }
0x22: {  	(erf) = vrcp.f32 @!p0 v1;
	_ =	sdelay $0x2  }
0x23: {  	v1 =	vpop @!p0 (erf)  }
0x24: {  	v1 =	vadd.f32 @!p0 v1, v0  }
0x25: {  	v2 =	vpop @!p0 (erf)  }
0x26: {  	s10 =	ssub.s32 $0x2, s10;
	v1 =	vadd.f32 @!p0 v2, v1  }
0x27: {  	s12 =	sshrl.u32 s10, $0x1;
	v2 =	vpop @!p0 (erf)  }
0x28: {  	s10 =	ssub.s32 s10, s12;
	v1 =	vadd.f32 @!p0 v2, v1  }
0x29: {  	s12 =	smax.u32 s10, $0x1;
	v2 =	vpop @!p0 (erf)  }
0x2a: {  	s12 =	sadd.s32 $0xFFFFFFFF, s12;
	v1 =	vadd.f32 @!p0 v2, v1  }
0x2b: {  	s11 =	sshll.u32 s11, $0x1;
	p1 =	sne.s32 s12, $0x0  }
.Ltmp0:
0x2c: {  	s9 =	sadd.s32 s11, s9;
	v0 =	vpsel p0, v0, v1;
	(pc) =	sbr.rel @!p1 .LBB2_2-.Ltmp0, $4  }
0x2d: {  	s11 =	simm.s32 $0x7B00;
	s10 =	simm.s32 $0x2;
	s9 =	sadd.s32 $0x1EA00, s9;
	[tilespmem:$0x7B00] =	vst v0  }
0x2e: {  	[hbm4b:s9+s2] =	stream.linear.scatter [tilespmem:s11], [sflag:$0x2], $0x10, $0x38;
	[tilespmem:$0x7B80] =	vst v63  }
0x2f: {  	_ =	swait.ge [sflag:s10], $0x10  }
0x30: {  	[sflag:s10] =	ssyncset.done $0x0  }
.LBB2_1:
0x31: {  	s12 =	sadd.s32 $0xFFFFFFFF, s12;
	[sflag:s10] =	ssyncadd.s32 $0xFFFFFFF0  }
0x32: {  	[tilespmem:s2], [sflag:$0x1] =	stream.linear.gather [hbm4b:s3+s2], $0x7A10, $0x38;
	[tilespmem:$0x7B80] =	vst v63  }
0x33: {  	p1 =	sne.s32 s12, $0x0;
	_ =	swait.ge [sflag:s4], $0x7A10  }
0x34: {  	[sflag:s4] =	ssyncset.done $0x0  }
0x35: {  	[sflag:s4] =	ssyncadd.s32 $0xFFFF85F0  }
0x36: {  	v0 =	vld [tilespmem:$0x0]  }
0x37: {  	[tilespmem:s7], [sflag:$0x2] =	stream.linear.gather @!p0 [hbm4b:s5+s6], $0x40, $0x38;
	[tilespmem:$0x7B80] =	vst v63  }
0x38: {  	_ =	swait.ge @!p0 [sflag:s8], $0x40  }
0x39: {  	[sflag:s8] =	ssyncset.done @!p0 $0x0  }
0x3a: {  	[sflag:s8] =	ssyncadd.s32 @!p0 $0xFFFFFFC0  }
0x3b: {  	v1 =	vld @!p0 [tilespmem:$0x7A80]  }
0x3c: {  	v2 =	vld @!p0 [tilespmem:$0x7A90]  }
0x3d: {  	v3 =	vld @!p0 [tilespmem:$0x7AA0]  }
0x3e: {  	v4 =	vld @!p0 [tilespmem:$0x7AB0];
	_ =	sdelay $0x1  }
0x3f: {  	v1 =	vsub.f32 @!p0 $0.0e+00, v1  }
0x40: {  	v2 =	vsub.f32 @!p0 $0.0e+00, v2  }
0x41: {  	v1 =	vmul.f32 @!p0 $1.442695020e+00, v1;
	v3 =	vsub.f32 @!p0 $0.0e+00, v3  }
0x42: {  	v2 =	vmul.f32 @!p0 $1.442695020e+00, v2;
	v4 =	vsub.f32 @!p0 $0.0e+00, v4  }
0x43: {  	v3 =	vmul.f32 @!p0 $1.442695020e+00, v3;
	(erf) = vpow2.f32 @!p0 v1  }
0x44: {  	v1 =	vmul.f32 @!p0 $1.442695020e+00, v4;
	(erf) = vpow2.f32 @!p0 v2  }
0x45: {  	(erf) = vpow2.f32 @!p0 v3  }
0x46: {  	(erf) = vpow2.f32 @!p0 v1;
	_ =	sdelay $0x5  }
0x47: {  	v1 =	vpop @!p0 (erf)  }
0x48: {  	v1 =	vadd.f32 @!p0 $1.000000000e+00, v1;
	v2 =	vpop @!p0 (erf)  }
0x49: {  	v2 =	vadd.f32 @!p0 $1.000000000e+00, v2;
	v3 =	vpop @!p0 (erf)  }
0x4a: {  	v1 =	vmul.f32 @!p0 v1, v1;
	v3 =	vadd.f32 @!p0 $1.000000000e+00, v3;
	v4 =	vpop @!p0 (erf)  }
0x4b: {  	v2 =	vmul.f32 @!p0 v2, v2;
	v4 =	vadd.f32 @!p0 $1.000000000e+00, v4  }
0x4c: {  	v3 =	vmul.f32 @!p0 v3, v3;
	(erf) = vrcp.f32 @!p0 v1  }
0x4d: {  	v1 =	vmul.f32 @!p0 v4, v4  }
0x4e: {  	(erf) = vrcp.f32 @!p0 v2;
	_ =	sdelay $0x1  }
0x4f: {  	(erf) = vrcp.f32 @!p0 v3;
	_ =	sdelay $0x1  }
0x50: {  	(erf) = vrcp.f32 @!p0 v1;
	_ =	sdelay $0x2  }
0x51: {  	v1 =	vpop @!p0 (erf)  }
0x52: {  	v1 =	vadd.f32 @!p0 v1, v0  }
0x53: {  	v2 =	vpop @!p0 (erf)  }
0x54: {  	v1 =	vadd.f32 @!p0 v2, v1  }
0x55: {  	v2 =	vpop @!p0 (erf)  }
0x56: {  	v1 =	vadd.f32 @!p0 v2, v1  }
0x57: {  	v2 =	vpop @!p0 (erf)  }
0x58: {  	v1 =	vadd.f32 @!p0 v2, v1;
	_ =	sdelay $0x1  }
.Ltmp1:
0x59: {  	v0 =	vpsel p0, v0, v1;
	(pc) =	sbr.rel @p1 .LBB2_1-.Ltmp1, $4  }
0x5a: {  	[tilespmem:$0x7B00] =	vst v0  }
0x5b: {  	[hbm4b:s9+s2] =	stream.linear.scatter [tilespmem:s11], [sflag:$0x2], $0x10, $0x38;
	[tilespmem:$0x7B80] =	vst v63  }
0x5c: {  	_ =	swait.ge [sflag:s10], $0x10  }
0x5d: {  	[sflag:s10] =	ssyncset.done $0x0  }
.LBB2_2:
0x5e: {  	[sflag:s10] =	ssyncadd.s32 $0xFFFFFFF0  }
0x5f: {  	_ =	sfence.sel $0x180000  }
0x60: {  	[bflag:$0x0] =	sbarrier.arrive $0xFFFF  }
0x61: {  	p0 =	sne.s32 s0, $0x0;
	_ =	strace $0x90000047  }
0x62: {  	s0 =	sadd.s32 @!p0 $0x100000, s1;
	[bflag:$0x2] =	sbarrier.arrive $0xFFFF  }
0x63: {  	[sflag:s0] =	ssyncadd.tile.s32 @!p0 $0x1;
	_ =	shalt  }
.Lfunc_end2:
_tile_overlayer_lowered:
.L_overlay_start_2:
0x64: {  	(tag) =	ssettag $0x2  }
0x65: {  	s0 =	rddreg [dreg:$0x0];
	s2 =	stileid.u32  }
0x66: {  	s1 =	rddreg [dreg:$0x1];
	p0 =	sne.s32 s2, $0x0  }
0x67: {  	s3 =	rddreg [dreg:$0x2];
	[bflag:$0x3] =	sbarrier.arrive $0xFFFF;
	s2 =	simm.s32 @!p0 $0x1C02  }
0x68: {  	[timem:s3], [sflag:s2] =	dma.local @!p0 [hbm:s0], s1  }
0x69: {  	s0 =	simm.s32 @!p0 $0x2  }
0x6a: {  	_ =	swait.ge @!p0 [sflag:s0], s1  }
0x6b: {  	s1 =	ssub.s32 @!p0 $0x0, s1;
	[sflag:s0] =	ssyncset.done @!p0 $0x0  }
0x6c: {  	[sflag:s0] =	ssyncadd.s32 @!p0 s1  }
0x6d: {  	[bflag:$0x3] =	sbarrier.arrive $0xFFFF  }
0x6e: {  	_ =	shalt  }

</sc_bundles>
